<compile_context>
chip_gen: v7x
topology: tpu7x:2x2x1
jax: 0.10.2.dev20260603
libtpu: 0.0.44.dev20260713+nightly
codegen_flags: <defaults>
</compile_context>

<pallas_src>
import jax
import jax.numpy as jnp
from jax import lax
from jax.experimental import pallas as pl
from jax.experimental.pallas import tpu as pltpu
from jax.experimental.pallas import tpu_sc as plsc

EMB = 64
HID = 256
LAB = 16
B = 4096
L = 200

NC = 2
NS = 16
NW = NC * NS
EPW = B // NW
CH = 100
CHR = 100
NCHUNK = 2 * EPW


SCALE = 2048.0
INV_SCALE = 1.0 / SCALE

NBUF = 4
GRP = NCHUNK // NBUF


def _pool_body(idx_hbm, table_hbm, out_hbm, idx_v, rows, pooled_v, sems):
    c = lax.axis_index("c")
    s = lax.axis_index("s")
    wid = c * NS + s

    pltpu.sync_copy(idx_hbm.at[wid], idx_v)

    def start(chunk, b):
        pltpu.async_copy(table_hbm.at[idx_v.at[chunk]], rows.at[b],
                         sems.at[b])

    for b in range(NBUF):
        start(b, b)

    def accumulate(r, accs):
        def body(t, a):
            w0 = r[t, pl.ds(0, 16)]
            w1 = r[t, pl.ds(16, 16)]
            lo0 = lax.convert_element_type((w0 << 16) >> 16, jnp.float32)
            lo1 = lax.convert_element_type((w1 << 16) >> 16, jnp.float32)
            hi0 = lax.convert_element_type(w0 >> 16, jnp.float32)
            hi1 = lax.convert_element_type(w1 >> 16, jnp.float32)
            return (a[0] + lo0, a[1] + lo1, a[2] + hi0, a[3] + hi1)
        return lax.fori_loop(0, CHR, body, accs)

    def group(g, carry):
        for half in range(2):
            e = 2 * g + half
            z = jnp.zeros((16,), jnp.float32)
            accs = (z, z, z, z)
            for b2 in range(2):
                b = 2 * half + b2
                pltpu.make_async_copy(table_hbm.at[idx_v.at[NBUF * g + b]],
                                      rows.at[b], sems.at[b]).wait()
                accs = accumulate(rows.at[b], accs)

                @pl.when(g < GRP - 1)
                def _():
                    start(NBUF * (g + 1) + b, b)
            for j in range(4):
                pooled_v[e, pl.ds(16 * j, 16)] = accs[j] * INV_SCALE
        return carry

    lax.fori_loop(0, GRP, group, 0)
    pltpu.sync_copy(pooled_v, out_hbm.at[pl.ds(wid * EPW, EPW)])


@jax.jit
def _pooled_sums(idx, packed):
    mesh = plsc.VectorSubcoreMesh(core_axis_name="c", subcore_axis_name="s")
    f = pl.kernel(
        _pool_body,
        out_type=jax.ShapeDtypeStruct((B, EMB), jnp.float32),
        mesh=mesh,
        scratch_types=[
            pltpu.VMEM((NCHUNK, CH), jnp.int32),
            pltpu.VMEM((NBUF, CH, EMB // 2), jnp.int32),
            pltpu.VMEM((EPW, EMB), jnp.float32),
            pltpu.SemaphoreType.DMA((NBUF,)),
        ],
        compiler_params=pltpu.CompilerParams(use_tc_tiling_on_sc=False),
    )
    return f(idx, packed)


def _trans_body(t_ref, o_ref):
    x = t_ref[...]
    q = jnp.round(x * SCALE).astype(jnp.int32)
    pt = (q[EMB // 2:, :] << 16) | (q[:EMB // 2, :] & 65535)
    y = pt.T
    qb = y.shape[0] // 4
    for j in range(4):
        o_ref[:, 32 * j:32 * (j + 1)] = y[qb * j:qb * (j + 1), :]


@jax.jit
def _table_packed(table):
    tt = table.T
    vocab = tt.shape[1]
    blk = 4096
    nblk = pl.cdiv(vocab, blk)
    vocab_pad = nblk * blk
    out = pl.pallas_call(
        _trans_body,
        out_shape=jax.ShapeDtypeStruct((vocab_pad // 4, 4 * EMB // 2),
                                       jnp.int32),
        grid=(nblk,),
        in_specs=[pl.BlockSpec((EMB, blk), lambda i: (0, i))],
        out_specs=pl.BlockSpec((blk // 4, 4 * EMB // 2), lambda i: (i, 0)),
    )(tt)
    return out.reshape(vocab_pad, EMB // 2)


def _mlp_body(x_ref, w1_ref, b1_ref, w2_ref, b2_ref, o_ref):
    x = x_ref[...] * (1.0 / L)
    h = jnp.dot(x, w1_ref[...], preferred_element_type=jnp.float32)
    h = jnp.maximum(h + b1_ref[...], 0.0)
    o = jnp.dot(h, w2_ref[...], preferred_element_type=jnp.float32)
    o_ref[...] = o + b2_ref[...]


@jax.jit
def _mlp(pooled, W1, b1, W2, b2):
    blk = 512
    grid = B // blk
    return pl.pallas_call(
        _mlp_body,
        out_shape=jax.ShapeDtypeStruct((B, LAB), jnp.float32),
        grid=(grid,),
        in_specs=[
            pl.BlockSpec((blk, EMB), lambda i: (i, 0)),
            pl.BlockSpec((EMB, HID), lambda i: (0, 0)),
            pl.BlockSpec((1, HID), lambda i: (0, 0)),
            pl.BlockSpec((HID, LAB), lambda i: (0, 0)),
            pl.BlockSpec((1, LAB), lambda i: (0, 0)),
        ],
        out_specs=pl.BlockSpec((blk, LAB), lambda i: (i, 0)),
    )(pooled, W1, b1.reshape(1, HID), W2, b2.reshape(1, LAB))


def kernel(input_id, mask, table, W1, b1, W2, b2):
    del mask
    v = input_id.astype(jnp.int32)
    m = v & 4095
    v = (v - m) + ((m & 1023) << 2) + (m >> 10)
    idx = v.reshape(NW, NCHUNK, CH)
    pooled = _pooled_sums(idx, _table_packed(table))
    return _mlp(pooled, W1, b1, W2, b2)

# --- scband reference (transcript-rebuilt; emitter-appended) ---
"""Pipeline reference for scband-custom-text-classifier-34162169872760 (READ-ONLY COPY).

The authoritative reference and input builder live on the scoring server;
editing this copy changes nothing except your own understanding.
"""

import jax, jax.numpy as jnp
import numpy as np

VOCAB = 1000000
EMB = 64
HID = 256
LAB = 16
B = 4096
L = 200

def setup_inputs(seed: int = 0) -> dict:
    key = jax.random.key(seed)
    k1, k2, k3, k4, k5, k6 = jax.random.split(key, 6)
    input_id = jax.random.randint(k1, (B, L), 0, VOCAB, dtype=jnp.int64) if jax.config.jax_enable_x64 else jax.random.randint(k1, (B, L), 0, VOCAB).astype(jnp.int32)
    mask = jnp.ones((B, L), dtype=input_id.dtype)
    table = jax.random.normal(k2, (VOCAB, EMB), dtype=jnp.float32)
    W1 = jax.random.normal(k3, (EMB, HID), dtype=jnp.float32) * (1.0 / np.sqrt(EMB))
    b1 = jax.random.normal(k4, (HID,), dtype=jnp.float32) * 0.01
    W2 = jax.random.normal(k5, (HID, LAB), dtype=jnp.float32) * (1.0 / np.sqrt(HID))
    b2 = jax.random.normal(k6, (LAB,), dtype=jnp.float32) * 0.01
    return {"input_id": input_id, "mask": mask, "table": table, "W1": W1, "b1": b1, "W2": W2, "b2": b2}

def reference(input_id, mask, table, W1, b1, W2, b2):
    # embedding lookup (gather)
    embedded = jnp.take(table, input_id, axis=0)  # [B, L, EMB]
    # dropout is identity in eval mode
    pooled = embedded.mean(axis=1)  # [B, EMB]
    hidden = jax.nn.relu(pooled @ W1 + b1)  # [B, HID]
    output = hidden @ W2 + b2  # [B, LAB]
    return output

if __name__ == "__main__":
    import jax
    _d = setup_inputs()
    print(jax.jit(kernel)(*tuple(_d.values())))

</pallas_src>

<mosaic_0001>
module attributes {stable_mosaic.version = 14 : i64} {
  func.func @_trans_body(%arg0: i32, %arg1: memref<64x4096xf32, #tpu.memory_space<vmem>>, %arg2: memref<1024x128xi32, #tpu.memory_space<vmem>>) attributes {dimension_semantics = [#tpu.dimension_semantics<arbitrary>], iteration_bounds = array<i64: 245>, scalar_prefetch = 0 : i64, scratch_operands = 0 : i64, tpu.core_type = #tpu.core_type<tc>, window_params = [{transform_indices = @transform_0, window_bounds = array<i64: 64, 4096>}, {transform_indices = @transform_1, window_bounds = array<i64: 1024, 128>}]} {
    %get3A = arith.constant 0 : index
    %get3A_0 = arith.constant 0 : index
    %get3A_1 = vector.load %arg1[%get3A, %get3A_0] : memref<64x4096xf32, #tpu.memory_space<vmem>>, vector<64x4096xf32>
    %mul3A = arith.constant 2.048000e+03 : f32
    %mul3A_2 = vector.broadcast %mul3A : f32 to vector<64x4096xf32>
    %mul3A_3 = arith.mulf %get3A_1, %mul3A_2 : vector<64x4096xf32>
    %round3A = math.roundeven %mul3A_3 : vector<64x4096xf32>
    %convert_element_type3A = arith.fptosi %round3A : vector<64x4096xf32> to vector<64x4096xi32>
    %slice3A = vector.extract_strided_slice %convert_element_type3A {offsets = [32, 0], sizes = [32, 4096], strides = [1, 1]} : vector<64x4096xi32> to vector<32x4096xi32>
    %shift_left3A = arith.constant 16 : i32
    %shift_left3A_4 = vector.broadcast %shift_left3A : i32 to vector<32x4096xi32>
    %shift_left3A_5 = arith.shli %slice3A, %shift_left3A_4 : vector<32x4096xi32>
    %slice3A_6 = vector.extract_strided_slice %convert_element_type3A {offsets = [0, 0], sizes = [32, 4096], strides = [1, 1]} : vector<64x4096xi32> to vector<32x4096xi32>
    %and3A = arith.constant 65535 : i32
    %and3A_7 = vector.broadcast %and3A : i32 to vector<32x4096xi32>
    %and3A_8 = arith.andi %slice3A_6, %and3A_7 : vector<32x4096xi32>
    %or3A = arith.ori %shift_left3A_5, %and3A_8 : vector<32x4096xi32>
    %transpose3A = tpu.transpose %or3A, [1, 0] : vector<32x4096xi32> -> vector<4096x32xi32>
    %slice3A_9 = vector.extract_strided_slice %transpose3A {offsets = [0, 0], sizes = [1024, 32], strides = [1, 1]} : vector<4096x32xi32> to vector<1024x32xi32>
    %swap3A = arith.constant 0 : index
    %swap3A_10 = arith.constant 0 : index
    %swap3A_11 = vector.load %arg2[%swap3A, %swap3A_10] : memref<1024x128xi32, #tpu.memory_space<vmem>>, vector<1024x32xi32>
    tpu.vector_store %arg2[%swap3A, %swap3A_10], %slice3A_9 {strides = array<i32>} : memref<1024x128xi32, #tpu.memory_space<vmem>>, vector<1024x32xi32>,
    %slice3A_12 = vector.extract_strided_slice %transpose3A {offsets = [1024, 0], sizes = [1024, 32], strides = [1, 1]} : vector<4096x32xi32> to vector<1024x32xi32>
    %swap3A_13 = arith.constant 0 : index
    %swap3A_14 = arith.constant 32 : index
    %swap3A_15 = vector.load %arg2[%swap3A_13, %swap3A_14] : memref<1024x128xi32, #tpu.memory_space<vmem>>, vector<1024x32xi32>
    tpu.vector_store %arg2[%swap3A_13, %swap3A_14], %slice3A_12 {strides = array<i32>} : memref<1024x128xi32, #tpu.memory_space<vmem>>, vector<1024x32xi32>,
    %slice3A_16 = vector.extract_strided_slice %transpose3A {offsets = [2048, 0], sizes = [1024, 32], strides = [1, 1]} : vector<4096x32xi32> to vector<1024x32xi32>
    %swap3A_17 = arith.constant 0 : index
    %swap3A_18 = arith.constant 64 : index
    %swap3A_19 = vector.load %arg2[%swap3A_17, %swap3A_18] : memref<1024x128xi32, #tpu.memory_space<vmem>>, vector<1024x32xi32>
    tpu.vector_store %arg2[%swap3A_17, %swap3A_18], %slice3A_16 {strides = array<i32>} : memref<1024x128xi32, #tpu.memory_space<vmem>>, vector<1024x32xi32>,
    %slice3A_20 = vector.extract_strided_slice %transpose3A {offsets = [3072, 0], sizes = [1024, 32], strides = [1, 1]} : vector<4096x32xi32> to vector<1024x32xi32>
    %swap3A_21 = arith.constant 0 : index
    %swap3A_22 = arith.constant 96 : index
    %swap3A_23 = vector.load %arg2[%swap3A_21, %swap3A_22] : memref<1024x128xi32, #tpu.memory_space<vmem>>, vector<1024x32xi32>
    tpu.vector_store %arg2[%swap3A_21, %swap3A_22], %slice3A_20 {strides = array<i32>} : memref<1024x128xi32, #tpu.memory_space<vmem>>, vector<1024x32xi32>,
    return
  }
  func.func @transform_0(%arg0: i32) -> (i32, i32) {
    %c0_i32 = arith.constant 0 : i32
    %c0_i32_0 = arith.constant 0 : i32
    return %c0_i32, %arg0 : i32, i32
  }
  func.func @transform_1(%arg0: i32) -> (i32, i32) {
    %c0_i32 = arith.constant 0 : i32
    %c0_i32_0 = arith.constant 0 : i32
    return %arg0, %c0_i32 : i32, i32
  }
}

</mosaic_0001>

<sc_bundles>
// kernel: sparse-core-data-format-call.cloned.1.call-start
scs
called_computation_lowered:
.L_overlay_start_0:
0x0: {  	s2 =	sld [smem:$0x3FD9]  }
0x1: {  	s3 =	sld [smem:$0x3FFE];
	_ =	sdelay $0x1  }
0x2: {  	s1 =	srdreg.scid  }
0x3: {  	s0 =	sand.u32 $0x1, s1  }
0x4: {  	s18 =	sshll.u32 s0, $0xA;
	s2 =	sadd.s32 s3, s2  }
0x5: {  	s2 =	sadd.s32 s2, s18  }
0x6: {  	[smem:$0x3FC7] =	sst s2  }
0x7: {  	_ = 	snop  }
0x8: {  	s2 =	sld [smem:$0x3FD0];
	(tm) =	ssettm $0x1  }
0x9: {  	s19 =	sld [smem:$0x3FFB];
	_ =	sdelay $0x3  }
0xa: {  	_ =	strace s19  }
0xb: {  	s3 =	sld [smem:$0x3FFC];
	_ =	sdelay $0x3  }
0xc: {  	_ =	strace s3  }
0xd: {  	s3 =	sld [smem:$0x3FFD];
	_ =	sdelay $0x3  }
0xe: {  	_ =	strace s3  }
0xf: {  	_ =	strace $0x8FFFFFFF  }
0x10: {  	s20 =	sld [smem:$0x3FDB];
	_ =	sdelay $0x1  }
0x11: {  	s4 =	simm.s32 $_scs_section_size  }
0x12: {  	s5 =	simm.s32 $_size__tile_overlayer_lowered;
	s6 =	simm.s32 $_tile_overlayer_lowered  }
0x13: {  	s23 =	simm.s32 $0x1BFF;
	s22 =	sshll.u32 s6, $0x1;
	s3 =	sadd.s32 s4, s20  }
0x14: {  	s7 =	simm.s32 $0x0;
	s21 =	sshll.u32 s5, $0x1;
	s5 =	sadd.s32 s22, s3  }
0x15: {  	[timem:s7], [sflag:s23] =	dma.local [hbm:s5], s21  }
0x16: {  	_ =	swait.ge [sflag:s23], s21  }
0x17: {  	s4 =	ssub.s32 $0x0, s21;
	[sflag:s23] =	ssyncset.done $0x0  }
0x18: {  	[sflag:s23] =	ssyncadd.s32 s4;
	_ =	sdelay $0x1  }
0x19: {  	s24 =	simm.s32 $0x1B8B  }
0x1a: {  	_ =	swait.ge [sflag:s24], $0x1  }
0x1b: {  	[sflag:s24] =	ssyncset.done $0x0  }
0x1c: {  	s26 =	simm.s32 $0x1B8E;
	s25 =	sld [smem:$0x3FFE];
	[sflag:s24] =	ssyncadd.s32 $0xFFFFFFFF  }
0x1d: {  	s27 =	simm.s32 $execute0_lowered;
	[smem:$0x3FD2] =	sst s26  }
0x1e: {  	s5 =	sshll.u32 s27, $0x1;
	_ =	strace $0x80000046;
	[dreg:$0x1] =	wrdreg $0xFFFFFFFF  }
0x1f: {  	s28 =	simm.s32 $_size_execute0_lowered;
	s3 =	sadd.s32 s3, s5;
	[dreg:$0x0] =	wrdreg $0x0  }
0x20: {  	s5 =	sshll.u32 s28, $0x1;
	[dreg:$0x2] =	wrdreg s3  }
0x21: {  	[dreg:$0x3] =	wrdreg s5  }
0x22: {  	[dreg:$0x4] =	wrdreg $0xC0  }
0x23: {  	_ =	task [dreg:s7], $0x5FFFF  }
0x24: {  	[dreg:$0x1] =	wrdreg $0xFFFFFFFF  }
0x25: {  	[dreg:$0x0] =	wrdreg $0x60  }
0x26: {  	[dreg:$0x2] =	wrdreg s25  }
0x27: {  	[dreg:$0x3] =	wrdreg s2  }
0x28: {  	[dreg:$0x4] =	wrdreg $0x9  }
0x29: {  	_ =	task.clear_ibuf [dreg:s7], $0x5FFFF;
	_ =	strace $0x90000046  }
0x2a: {  	s29 =	simm.s32 $0x9;
	_ =	strace $0x80000048  }
0x2b: {  	_ =	swait.ge [sflag:s29], $0x1  }
0x2c: {  	[sflag:s29] =	ssyncadd.s32 $0xFFFFFFFF  }
0x2d: {  	_ =	strace $0x90000048  }
0x2e: {  	_ =	sfence  }
0x2f: {  	s30 =	sld [smem:$0x0];
	_ =	sdelay $0x2  }
0x30: {  	s31 =	sshll.u32 s1, $0xD;
	s1 =	sshrl.u32 s1, $0x2  }
0x31: {  	s3 =	sand.u32 $0x4000, s31;
	s1 =	sadd.s32 s1, s30  }
0x32: {  	s0 =	sor.u32 s3, s0;
	s1 =	sshll.u32 s1, $0x11  }
0x33: {  	s0 =	sor.u32 s1, s0  }
0x34: {  	s0 =	sadd.s32 $0x8F2B, s0  }
0x35: {  	[sflag:s0] =	ssyncadd.remote.s32 $0x1  }
0x36: {  	_ =	sfence.sel $0xFFFF  }
0x37: {  	[dreg:$0x0] =	wrdreg $0xFFFFFFFF;
	(pc) =	sbr.abs _section_cstart, $3  }
0x38: {  	[dreg:$0x1] =	wrdreg $0xFFFFFFFF  }
0x39: {  	_ =	task.clear_ibuf [dreg:s7], $0x2FFFF;
	_ =	strace $0x9FFFFFFF  }
0x3a: {  	(tm) =	ssettm $0x7FFFFFFF  }
0x3b: {  	_ =	shalt  }
tec
execute0_lowered:
.L_overlay_start_1:
0x0: {  	(tag) =	ssettag $0x1  }
0x1: {  	s0 =	srdreg.scid  }
0x2: {  	s1 =	sshll.u32 s0, $0x4  }
0x3: {  	s4 =	rddreg [dreg:$0x0];
	s0 =	stileid.u32;
	s1 =	sand.u32 $0x10, s1  }
0x4: {  	s2 =	rddreg [dreg:$0x1];
	s7 =	simm.s32 $0x1;
	s1 =	sor.u32 s0, s1  }
0x5: {  	s8 =	simm.s32 $0x2;
	s11 =	simm.s32 $0x0;
	s3 =	sshll.u32 s1, $0x7  }
0x6: {  	s10 =	simm.s32 $0x0;
	s4 =	sadd.s32 $0x400, s4;
	s6 =	ssub.s32 $0xF5000, s3  }
.Ltmp0:
0x7: {  	s1 =	rddreg [dreg:$0x2];
	s5 =	sand.u32 $0xF80, s6;
	(pc) =	sbr.rel .LBB1_1-.Ltmp0, $4  }
0x8: {  	_ =	strace $0x80000047;
	s9 =	smov.u32 s3;
	p0 =	sne.s32 s5, $0x0  }
0x9: {  	s6 =	sshrl.u32 s6, $0xC;
	s5 =	simm.s32 $0x1;
	s7 =	simm.s32 @!p0 $0x0  }
0xa: {  	[sflag:s5] =	ssyncpa.u1 $0x0;
	p0 =	por $0x0, $0x0;
	s6 =	sadd.s32 s7, s6  }
0xb: {  	[sflag:s8] =	ssyncpa.u1 $0x0;
	s8 =	simm.s32 $0x7A8000;
	s7 =	sadd.s32 $0x1, s6  }
.LBB1_4:
0xc: {  	s14 =	sshll.u32 s11, $0x3  }
0xd: {  	s15 =	sshrl.u32 s14, $0xC  }
0xe: {  	s15 =	smulhi.u32 $0x10B7E6F, s15;
	_ =	sdelay $0x1  }
0xf: {  	s28 =	sand.u32 $0x7F, s11;
	s14 =	sand.u32 $0xFFFFFC00, s14;
	s16 =	smul.u32 $0xF5000, s15  }
0x10: {  	s11 =	sor.u32 s28, s14;
	s29 =	sand.u32 $0x1F, s15  }
0x11: {  	s14 =	smul.u32 $0x1EA00, s29;
	s11 =	ssub.s32 s11, s16  }
0x12: {  	s30 =	sand.u32 $0x7, s11  }
0x13: {  	s11 =	sshrl.u32 s11, $0x3;
	s14 =	sadd.s32 s2, s14;
	s15 =	sshll.u32 s30, $0x12  }
0x14: {  	[tilespmem:s13+$0x0 ss:$0x81] =	vst.msk $0xffff, v0;
	s11 =	sadd.s32 s11, s14;
	s31 =	sor.u32 $0x400, s15  }
0x15: {  	[hbm4b:s11+s31] =	stream.strided.scatter [tilespmem:s12], [sflag:$0x2], $0x1000, s8, s31, $0x20;
	[tilespmem:$0x4040] =	vst v63  }
.LBB1_5:
0x16: {  	s13 =	sadd.s32 $0x1000, s9  }
0x17: {  	p2 =	sgt.s32 s13, $0xF4FFF  }
0x18: {  	s13 =	smov.u32 @p2 s3;
	p2 =	sne.s32 s10, s7  }
.Ltmp1:
0x19: {  	p1 =	slt.u32 s10, $0x2;
	(pc) =	sbr.rel @!p2 .LBB1_6-.Ltmp1, $4  }
0x1a: {  	s12 =	simm.s32 @!p1 $0x2  }
0x1b: {  	s14 =	sadd.s32 $0x1, s10;
	_ =	swait.ge @!p1 [sflag:s12], $0x1000  }
0x1c: {  	s11 =	smov.u32 s9;
	p0 =	por !p0, !p0;
	[sflag:s12] =	ssyncset.done @!p1 $0x0  }
0x1d: {  	s10 =	smov.u32 s14;
	s9 =	smov.u32 s13;
	[sflag:s12] =	ssyncadd.s32 @!p1 $0xFFFFF000  }
.LBB1_1:
0x1e: {  	p1 =	sge.u32 s10, s6  }
0x1f: {  	s12 =	sand.u32 @!p1 $0x1FFFFFF, s9  }
0x20: {  	s13 =	smulhi.u32 @!p1 $0x10B7E6F, s12;
	_ =	sdelay $0x1  }
0x21: {  	s13 =	sshrl.u32 @!p1 s13, $0xC  }
0x22: {  	s13 =	smul.u32 @!p1 $0xF5000, s13;
	_ =	sdelay $0x1  }
0x23: {  	s31 =	sadd.s32 $0xFFFFFFFF, s10;
	s14 =	sxor.u32 @!p1 $0xFFFFFFFF, s10;
	s12 =	ssub.s32 @!p1 s12, s13  }
0x24: {  	s15 =	simm.s32 @!p1 $0x80;
	s14 =	sshll.u32 @!p1 s14, $0xC;
	s12 =	sshll.u32 @!p1 s12, $0x4  }
0x25: {  	s13 =	sand.u32 @!p1 $0x1000, s14;
	s14 =	simm.s32 @!p1 $0x20;
	s12 =	sadd.s32 @!p1 s4, s12  }
0x26: {  	[tilespmem:s13], [sflag:$0x1] =	stream.strided.gather @!p1 [hbm4b:s12+s14], $0x1000, s15, s14, $0x38;
	[tilespmem:$0x4040] =	vst v63  }
0x27: {  	p1 =	sge.u32 s31, s6  }
.Ltmp2:
0x28: {  	_ = 	snop;
	(pc) =	sbr.rel @p1 .LBB1_5-.Ltmp2, $1  }
0x29: {  	_ =	sdelay $0x3  }
0x2a: {  	s12 =	simm.s32 $0x1  }
0x2b: {  	_ =	swait.ge [sflag:s5], $0x1000;
	s12 =	simm.s32 @!p0 $0x0  }
0x2c: {  	[sflag:s5] =	ssyncset.done $0x0;
	s13 =	sshll.u32 s12, $0xC  }
0x2d: {  	[sflag:s5] =	ssyncadd.s32 $0xFFFFF000;
	s16 =	sor.u32 $0x10, s13  }
0x2e: {  	s12 =	smul.u32 $0x4080, s12;
	v1 =	vld [tilespmem:s16+$0x0]  }
0x2f: {  	s30 =	sand.u32 $0x1, s10;
	v0 =	vld [tilespmem:s16+$0xFFFFFFF0]  }
0x30: {  	s13 =	smul.u32 $0x4080, s30;
	s12 =	sshrl.u32 s12, $0x2  }
0x31: {  	s14 =	sor.u32 $0x2000, s12  }
0x32: {  	s31 =	sshrl.u32 s13, $0x2;
	s13 =	sadd.s32 $0x0, s14  }
0x33: {  	s15 =	simm.s32 $0x4;
	s16 =	sadd.s32 $0x20, s16;
	s12 =	sor.u32 $0x2000, s31;
	[tilespmem:s13+$0x810 ss:$0x81] =	vst.msk $0xffff, v1  }
.LBB1_3:
0x34: {  	v1 =	vld [tilespmem:s16+$0x0];
	p1 =	sne.s32 s15, $0x1FC;
	[tilespmem:s13+$0x0 ss:$0x81] =	vst.msk $0xffff, v0;
	s13 =	smov.u32 s15;
	s15 =	sadd.s32 $0x4, s15  }
.Ltmp3:
0x35: {  	v0 =	vld [tilespmem:s16+$0xFFFFFFF0];
	(pc) =	sbr.rel @p1 .LBB1_3-.Ltmp3, $4  }
0x36: {  	_ = 	snop  }
0x37: {  	s13 =	sshra.s32 s13, $0x2  }
0x38: {  	s13 =	sadd.s32 s13, s14  }
0x39: {  	s16 =	sadd.s32 $0x20, s16;
	[tilespmem:s13+$0x810 ss:$0x81] =	vst.msk $0xffff, v1  }
.Ltmp4:
0x3a: {  	_ = 	snop;
	(pc) =	sbr.rel .LBB1_4-.Ltmp4, $1  }
0x3b: {  	_ =	sdelay $0x3  }
.LBB1_6:
0x3c: {  	_ =	sfence.sel $0x180000  }
0x3d: {  	s2 =	simm.s32 $0x1;
	[bflag:$0x0] =	sbarrier.arrive $0xFFFF  }
0x3e: {  	s31 =	simm.s32 $0x2;
	[sflag:s2] =	ssyncpa.u1 $0x1  }
0x3f: {  	[sflag:s31] =	ssyncpa.u1 $0x1  }
0x40: {  	p0 =	sne.s32 s0, $0x0;
	_ =	strace $0x90000047  }
0x41: {  	s0 =	sadd.s32 @!p0 $0x100000, s1;
	[bflag:$0x2] =	sbarrier.arrive $0xFFFF  }
0x42: {  	[sflag:s0] =	ssyncadd.tile.s32 @!p0 $0x1;
	_ =	shalt  }
.Lfunc_end1:
_tile_overlayer_lowered:
.L_overlay_start_2:
0x43: {  	(tag) =	ssettag $0x2  }
0x44: {  	s0 =	rddreg [dreg:$0x0];
	s2 =	stileid.u32  }
0x45: {  	s1 =	rddreg [dreg:$0x1];
	p0 =	sne.s32 s2, $0x0  }
0x46: {  	s3 =	rddreg [dreg:$0x2];
	[bflag:$0x3] =	sbarrier.arrive $0xFFFF;
	s2 =	simm.s32 @!p0 $0x1C01  }
0x47: {  	[timem:s3], [sflag:s2] =	dma.local @!p0 [hbm:s0], s1  }
0x48: {  	s0 =	simm.s32 @!p0 $0x1  }
0x49: {  	_ =	swait.ge @!p0 [sflag:s0], s1  }
0x4a: {  	s1 =	ssub.s32 @!p0 $0x0, s1;
	[sflag:s0] =	ssyncset.done @!p0 $0x0  }
0x4b: {  	[sflag:s0] =	ssyncadd.s32 @!p0 s1  }
0x4c: {  	[bflag:$0x3] =	sbarrier.arrive $0xFFFF  }
0x4d: {  	_ =	shalt  }

</sc_bundles>
